<compile_context>
chip_gen: v7x
topology: tpu7x:2x2x1
jax: 0.10.2.dev20260603
libtpu: 0.0.44.dev20260713+nightly
codegen_flags: <defaults>
</compile_context>

<pallas_src>
import functools
import math

import numpy as np
import jax
import jax.numpy as jnp
from jax import lax
from jax.experimental import pallas as pl
from jax.experimental.pallas import tpu as pltpu
from jax.experimental.pallas import tpu_sc as plsc

_H = 6
_WS = 8
_N = _WS * _WS
_P = _N * _N
_T = (2 * _WS - 1) ** 2
_RB = 512
_D = 128


def _build_tables():
    ch = np.arange(-(_WS - 1), _WS, dtype=np.float32)
    t = np.stack(np.meshgrid(ch, ch, indexing="ij"), axis=-1)
    t /= float(_WS - 1)
    t *= 8.0
    t = np.sign(t) * np.log2(np.abs(t) + 1.0) / np.log2(8.0)
    coords = t.reshape(_T, 2)

    c = np.arange(_WS)
    grid = np.stack(np.meshgrid(c, c, indexing="ij")).reshape(2, -1)
    rel = (grid[:, :, None] - grid[:, None, :]).transpose(1, 2, 0)
    rel = rel.astype(np.int64)
    rel[:, :, 0] += _WS - 1
    rel[:, :, 1] += _WS - 1
    rel[:, :, 0] *= 2 * _WS - 1
    idx = rel.sum(-1).reshape(-1).astype(np.int32)
    return coords, idx


_TC_NP, _IDX_NP = _build_tables()


def _mlp_kernel(ls_ref, w1_ref, b1_ref, w2_ref, tc_ref, tbl_ref, scale_ref):
    h = jnp.dot(tc_ref[...], w1_ref[...],
                preferred_element_type=jnp.float32)
    h = jnp.maximum(h + b1_ref[...], 0.0)
    tbl = jax.lax.dot_general(h, w2_ref[...],
                              (((1,), (1,)), ((), ())),
                              preferred_element_type=jnp.float32)
    tbl_ref[...] = 16.0 * jax.nn.sigmoid(tbl)
    scale_ref[...] = jnp.exp(jnp.minimum(ls_ref[...], math.log(100.0)))


def _sc_gather(table, idx):
    info = plsc.get_sparse_core_info()
    nw = info.num_cores * info.num_subcores
    b_per_w = _P // nw

    mesh = plsc.VectorSubcoreMesh(core_axis_name="c", subcore_axis_name="s")

    @functools.partial(
        pl.kernel, mesh=mesh,
        out_type=jax.ShapeDtypeStruct((_P, _D), jnp.float32),
        scratch_types=[
            pltpu.VMEM((b_per_w,), jnp.int32),
            pltpu.VMEM((b_per_w, _D), jnp.float32),
            pltpu.SemaphoreType.DMA,
        ],
    )
    def gather_k(table_hbm, idx_hbm, out_hbm, idx_v, rows_v, sem):
        wid = lax.axis_index("s") * info.num_cores + lax.axis_index("c")
        base = wid * b_per_w
        pltpu.sync_copy(idx_hbm.at[pl.ds(base, b_per_w)], idx_v)
        pltpu.async_copy(table_hbm.at[idx_v], rows_v, sem).wait()
        pltpu.sync_copy(rows_v, out_hbm.at[pl.ds(base, b_per_w)])

    return gather_k(table, idx)


def _stream_kernel(scale_ref, bvt_ref, attn_ref, out_ref):
    i = pl.program_id(0)
    nb = attn_ref.shape[2]
    for hd in range(_H):
        bh = jnp.broadcast_to(
            bvt_ref[pl.ds(i * _RB, _RB), hd:hd + 1], (_RB, nb))
        sh = scale_ref[0, hd]
        out_ref[hd] = attn_ref[hd] * sh + bh


def kernel(attn, x_size, logit_scale, w1, b1, w2):
    del x_size
    B = attn.shape[0]
    attn_t = jnp.transpose(attn, (1, 2, 3, 0)).reshape(_H, _P, B)

    tc = jnp.asarray(_TC_NP)
    idx = jnp.asarray(_IDX_NP)
    ls2 = logit_scale.reshape(1, _H)
    b1r = b1.reshape(1, -1)
    w2p = jnp.pad(w2.T, ((0, _D - _H), (0, 0)))

    tbl, scale = pl.pallas_call(
        _mlp_kernel,
        out_shape=(
            jax.ShapeDtypeStruct((_T, _D), jnp.float32),
            jax.ShapeDtypeStruct((1, _H), jnp.float32),
        ),
    )(ls2, w1, b1r, w2p, tc)

    bvt = _sc_gather(tbl, idx)

    out_t = pl.pallas_call(
        _stream_kernel,
        grid=(_P // _RB,),
        in_specs=[
            pl.BlockSpec((1, _H), lambda i: (0, 0)),
            pl.BlockSpec((_P, _D), lambda i: (0, 0)),
            pl.BlockSpec((_H, _RB, B), lambda i: (0, i, 0)),
        ],
        out_specs=pl.BlockSpec((_H, _RB, B), lambda i: (0, i, 0)),
        out_shape=jax.ShapeDtypeStruct((_H, _P, B), jnp.float32),
        compiler_params=pltpu.CompilerParams(
            dimension_semantics=("arbitrary",),
            vmem_limit_bytes=60 * 1024 * 1024,
        ),
    )(scale, bvt, attn_t)
    return jnp.transpose(out_t.reshape(_H, _N, _N, B), (3, 0, 1, 2))

# --- scband reference (transcript-rebuilt; emitter-appended) ---
"""Pipeline reference for scband-affine-transform-stripe-66468913873022 (READ-ONLY COPY).

The authoritative reference and input builder live on the scoring server;
editing this copy changes nothing except your own understanding.
"""

import jax, jax.numpy as jnp
import numpy as np
import math

NUM_HEADS = 6
STRIPE = (8, 8)
CPB_HIDDEN = 512

def _coords_table(ws):
    # get_relative_coords_table_all with anchor_window_down_factor=1, pretrained_stripe_size=[0,0]
    aws = list(ws)
    ts_p = [w1 - 1 - (w1 - w2) // 2 for w1, w2 in zip(ws, aws)]
    ts_n = [-(w2 - 1) - (w1 - w2) // 2 for w1, w2 in zip(ws, aws)]
    ch = np.arange(ts_n[0], ts_p[0] + 1, dtype=np.float32)
    cw = np.arange(ts_n[1], ts_p[1] + 1, dtype=np.float32)
    t = np.stack(np.meshgrid(ch, cw, indexing='ij'), axis=-1)[None]  # 1, 2w-1, 2w-1, 2
    t[..., 0] /= float(ts_p[0])
    t[..., 1] /= float(ts_p[1])
    t = t * 8.0
    t = np.sign(t) * np.log2(np.abs(t) + 1.0) / np.log2(8.0)
    return jnp.asarray(t, dtype=jnp.float32)

def _rel_index(ws):
    # get_relative_position_index_simple with anchor_window_down_factor=1, window_to_anchor=True
    aws = list(ws)
    ch = np.arange(ws[0]); cw = np.arange(ws[1])
    coords = np.stack(np.meshgrid(ch, cw, indexing='ij')).reshape(2, -1)  # 2, Wh*Ww
    rel = coords[:, :, None] - coords[:, None, :]  # 2, N, N
    rel = rel.transpose(1, 2, 0).astype(np.int64)
    rel[:, :, 0] += aws[0] - 1
    rel[:, :, 1] += aws[1] - 1
    rel[:, :, 0] *= aws[1] + ws[1] - 1
    return jnp.asarray(rel.sum(-1), dtype=jnp.int32)  # N, N in [0, (2w-1)^2)

def setup_inputs(seed: int = 0):
    key = jax.random.key(seed)
    k1, k2, k3 = jax.random.split(key, 3)
    N = STRIPE[0] * STRIPE[1]
    B_ = 1024
    attn = jax.random.normal(k1, (B_, NUM_HEADS, N, N), dtype=jnp.float32)
    x_size = jnp.array([64, 64], dtype=jnp.int32)
    logit_scale = jnp.log(10.0 * jnp.ones((NUM_HEADS, 1, 1), dtype=jnp.float32))
    w1 = jax.random.normal(k2, (2, CPB_HIDDEN), dtype=jnp.float32) * 0.02
    b1 = jnp.zeros((CPB_HIDDEN,), dtype=jnp.float32)
    w2 = jax.random.normal(k3, (CPB_HIDDEN, NUM_HEADS), dtype=jnp.float32) * 0.02
    return {"attn": attn, "x_size": x_size, "logit_scale": logit_scale, "w1": w1, "b1": b1, "w2": w2}

def reference(attn, x_size, logit_scale, w1, b1, w2):
    # attn scaling by clamped logit scale
    attn = attn * jnp.exp(jnp.minimum(logit_scale, math.log(1.0 / 0.01)))
    # stripe_groups are both None -> fixed stripe size, x_size unused numerically
    table = _coords_table(STRIPE)
    index = _rel_index(STRIPE)
    N1 = N2 = STRIPE[0] * STRIPE[1]
    # CPB MLP: Linear(2,512)+ReLU+Linear(512,num_heads,bias=False)
    h = jnp.maximum(table.reshape(-1, 2) @ w1 + b1, 0.0)
    bias_table = h @ w2  # (2w-1)^2, num_heads
    bias = jnp.take(bias_table, index.reshape(-1), axis=0)  # embedding-style gather
    bias = bias.reshape(N1, N2, -1).transpose(2, 0, 1)
    bias = 16.0 * jax.nn.sigmoid(bias)
    attn = attn + bias[None]
    # use_buffer=False and stripe_shift=False -> mask is None
    return attn

if __name__ == "__main__":
    import jax
    _d = setup_inputs()
    print(jax.jit(kernel)(*tuple(_d.values())))

</pallas_src>

<mosaic_0001>
#map = affine_map<(d0, d1) -> (0, 0)>
#map1 = affine_map<(d0, d1) -> (0)>
module attributes {stable_mosaic.version = 14 : i64} {
  func.func @gather_k(%arg0: i32, %arg1: i32, %arg2: memref<225x128xf32, #tpu.memory_space<hbm>>, %arg3: memref<4096xi32, #tpu.memory_space<hbm>>, %arg4: memref<4096x128xf32, #tpu.memory_space<hbm>>, %arg5: memref<128xi32, #tpu.memory_space<vmem>>, %arg6: memref<128x128xf32, #tpu.memory_space<vmem>>, %arg7: memref<!tpu.dma_semaphore, #tpu.memory_space<semaphore_mem>>) attributes {dimension_semantics = [#tpu.dimension_semantics<core_parallel>, #tpu.dimension_semantics<subcore_parallel>], iteration_bounds = array<i64: 2, 16>, scalar_prefetch = 0 : i64, scratch_operands = 3 : i64, tpu.core_type = #tpu.core_type<sc_vector_subcore>, window_params = [{transform_indices = #map}, {transform_indices = #map1}, {transform_indices = #map}]} {
    %mul3A = arith.constant 2 : i32
    %mul3A_0 = arith.muli %arg1, %mul3A : i32
    %add3A = arith.addi %mul3A_0, %arg0 : i32
    %mul3A_1 = arith.constant 128 : i32
    %mul3A_2 = arith.muli %add3A, %mul3A_1 : i32
    "tpu.region"() ({
      %run_scoped3A = tpu.sem_alloc : memref<!tpu.dma_semaphore, #tpu.memory_space<semaphore_mem>>
      %dma_start3A_7 = tpu.memref_slice %arg3[%mul3A_2] : memref<4096xi32, #tpu.memory_space<hbm>> -> memref<128xi32, #tpu.memory_space<hbm>>
      %dma_start3A_8 = tpu.memref_slice %arg3[%mul3A_2] : memref<4096xi32, #tpu.memory_space<hbm>> -> memref<128xi32, #tpu.memory_space<hbm>>
      tpu.enqueue_dma source(%dma_start3A_8 : memref<128xi32, #tpu.memory_space<hbm>>) target(%arg5 : memref<128xi32, #tpu.memory_space<vmem>>) target_semaphore(%run_scoped3A : memref<!tpu.dma_semaphore, #tpu.memory_space<semaphore_mem>>)
      %dma_wait3A_9 = tpu.memref_slice %arg3[%mul3A_2] : memref<4096xi32, #tpu.memory_space<hbm>> -> memref<128xi32, #tpu.memory_space<hbm>>
      %dma_wait3A_10 = tpu.memref_slice %arg3[%mul3A_2] : memref<4096xi32, #tpu.memory_space<hbm>> -> memref<128xi32, #tpu.memory_space<hbm>>
      tpu.wait_dma2 semaphore(%run_scoped3A : memref<!tpu.dma_semaphore, #tpu.memory_space<semaphore_mem>>) src(%dma_wait3A_10 : memref<128xi32, #tpu.memory_space<hbm>>) dst(%arg5 : memref<128xi32, #tpu.memory_space<vmem>>)
      tpu.yield
    }) : () -> ()
    %dma_start3A = arith.constant 0 : i32
    %dma_start3A_3 = arith.constant 0 : i32
    %dma_start3A_4 = tpu.memref_slice %arg2[%dma_start3A, %dma_start3A_3] : memref<225x128xf32, #tpu.memory_space<hbm>> -> memref<225x128xf32, #tpu.memory_space<hbm>>
    tpu.enqueue_indirect_dma source(%dma_start3A_4 : memref<225x128xf32, #tpu.memory_space<hbm>>) target(%arg6 : memref<128x128xf32, #tpu.memory_space<vmem>>) offsets(%arg5 : memref<128xi32, #tpu.memory_space<vmem>>) semaphore(%arg7 : memref<!tpu.dma_semaphore, #tpu.memory_space<semaphore_mem>>)
    %dma_wait3A = arith.constant 0 : i32
    %dma_wait3A_5 = arith.constant 0 : i32
    %dma_wait3A_6 = tpu.memref_slice %arg2[%dma_wait3A, %dma_wait3A_5] : memref<225x128xf32, #tpu.memory_space<hbm>> -> memref<225x128xf32, #tpu.memory_space<hbm>>
    tpu.wait_indirect_dma semaphore(%arg7 : memref<!tpu.dma_semaphore, #tpu.memory_space<semaphore_mem>>) src(%dma_wait3A_6 : memref<225x128xf32, #tpu.memory_space<hbm>>) dst(%arg6 : memref<128x128xf32, #tpu.memory_space<vmem>>)
    "tpu.region"() ({
      %run_scoped3A = tpu.sem_alloc : memref<!tpu.dma_semaphore, #tpu.memory_space<semaphore_mem>>
      %dma_start3A_7 = arith.constant 0 : i32
      %dma_start3A_8 = tpu.memref_slice %arg4[%mul3A_2, %dma_start3A_7] : memref<4096x128xf32, #tpu.memory_space<hbm>> -> memref<128x128xf32, #tpu.memory_space<hbm>>
      %dma_start3A_9 = arith.constant 0 : i32
      %dma_start3A_10 = tpu.memref_slice %arg4[%mul3A_2, %dma_start3A_9] : memref<4096x128xf32, #tpu.memory_space<hbm>> -> memref<128x128xf32, #tpu.memory_space<hbm>>
      tpu.enqueue_dma source(%arg6 : memref<128x128xf32, #tpu.memory_space<vmem>>) target(%dma_start3A_10 : memref<128x128xf32, #tpu.memory_space<hbm>>) target_semaphore(%run_scoped3A : memref<!tpu.dma_semaphore, #tpu.memory_space<semaphore_mem>>)
      %dma_wait3A_11 = arith.constant 0 : i32
      %dma_wait3A_12 = tpu.memref_slice %arg4[%mul3A_2, %dma_wait3A_11] : memref<4096x128xf32, #tpu.memory_space<hbm>> -> memref<128x128xf32, #tpu.memory_space<hbm>>
      %dma_wait3A_13 = arith.constant 0 : i32
      %dma_wait3A_14 = tpu.memref_slice %arg4[%mul3A_2, %dma_wait3A_13] : memref<4096x128xf32, #tpu.memory_space<hbm>> -> memref<128x128xf32, #tpu.memory_space<hbm>>
      tpu.wait_dma2 semaphore(%run_scoped3A : memref<!tpu.dma_semaphore, #tpu.memory_space<semaphore_mem>>) src(%arg6 : memref<128x128xf32, #tpu.memory_space<vmem>>) dst(%dma_wait3A_14 : memref<128x128xf32, #tpu.memory_space<hbm>>)
      tpu.yield
    }) : () -> ()
    return
  }
}

module attributes {stable_mosaic.version = 14 : i64} {
  func.func @_mlp_kernel(%arg0: memref<1x6xf32, #tpu.memory_space<vmem>>, %arg1: memref<2x512xf32, #tpu.memory_space<vmem>>, %arg2: memref<1x512xf32, #tpu.memory_space<vmem>>, %arg3: memref<128x512xf32, #tpu.memory_space<vmem>>, %arg4: memref<225x2xf32, #tpu.memory_space<vmem>>, %arg5: memref<225x128xf32, #tpu.memory_space<vmem>>, %arg6: memref<1x6xf32, #tpu.memory_space<vmem>>) attributes {dimension_semantics = [], scalar_prefetch = 0 : i64, scratch_operands = 0 : i64, tpu.core_type = #tpu.core_type<tc>} {
    %get3A = arith.constant 0 : index
    %get3A_0 = arith.constant 0 : index
    %get3A_1 = vector.load %arg4[%get3A, %get3A_0] : memref<225x2xf32, #tpu.memory_space<vmem>>, vector<225x2xf32>
    %get3A_2 = arith.constant 0 : index
    %get3A_3 = arith.constant 0 : index
    %get3A_4 = vector.load %arg1[%get3A_2, %get3A_3] : memref<2x512xf32, #tpu.memory_space<vmem>>, vector<2x512xf32>
    %dot_general3A = arith.constant dense<0.000000e+00> : vector<225x512xf32>
    %dot_general3A_5 = tpu.matmul %get3A_1, %get3A_4, %dot_general3A {dimension_numbers = #tpu.dot_dimension_numbers<[1], [0], [0], [1], [0, 0, 1, 1], [], []>, transpose_lhs_hint = false} : vector<225x2xf32>, vector<2x512xf32>, vector<225x512xf32> -> vector<225x512xf32>
    %get3A_6 = arith.constant 0 : index
    %get3A_7 = arith.constant 0 : index
    %get3A_8 = vector.load %arg2[%get3A_6, %get3A_7] : memref<1x512xf32, #tpu.memory_space<vmem>>, vector<1x512xf32>
    %add3A = vector.broadcast %get3A_8 : vector<1x512xf32> to vector<225x512xf32>
    %add3A_9 = arith.addf %dot_general3A_5, %add3A : vector<225x512xf32>
    %max3A = arith.constant 0.000000e+00 : f32
    %max3A_10 = vector.broadcast %max3A : f32 to vector<225x512xf32>
    %max3A_11 = arith.maximumf %add3A_9, %max3A_10 : vector<225x512xf32>
    %get3A_12 = arith.constant 0 : index
    %get3A_13 = arith.constant 0 : index
    %get3A_14 = vector.load %arg3[%get3A_12, %get3A_13] : memref<128x512xf32, #tpu.memory_space<vmem>>, vector<128x512xf32>
    %dot_general3A_15 = arith.constant dense<0.000000e+00> : vector<225x128xf32>
    %dot_general3A_16 = tpu.matmul %max3A_11, %get3A_14, %dot_general3A_15 {dimension_numbers = #tpu.dot_dimension_numbers<[1], [1], [0], [0], [0, 0, 1, 0], [], []>, transpose_lhs_hint = false} : vector<225x512xf32>, vector<128x512xf32>, vector<225x128xf32> -> vector<225x128xf32>
    %logistic3A = arith.negf %dot_general3A_16 : vector<225x128xf32>
    %logistic3A_17 = math.exp %logistic3A : vector<225x128xf32>
    %logistic3A_18 = arith.constant 1.000000e+00 : f32
    %logistic3A_19 = vector.broadcast %logistic3A_18 : f32 to vector<225x128xf32>
    %logistic3A_20 = arith.addf %logistic3A_19, %logistic3A_17 : vector<225x128xf32>
    %logistic3A_21 = arith.divf %logistic3A_19, %logistic3A_20 : vector<225x128xf32>
    %mul3A = arith.constant 1.600000e+01 : f32
    %mul3A_22 = vector.broadcast %mul3A : f32 to vector<225x128xf32>
    %mul3A_23 = arith.mulf %mul3A_22, %logistic3A_21 : vector<225x128xf32>
    %swap3A = arith.constant 0 : index
    %swap3A_24 = arith.constant 0 : index
    %swap3A_25 = vector.load %arg5[%swap3A, %swap3A_24] : memref<225x128xf32, #tpu.memory_space<vmem>>, vector<225x128xf32>
    tpu.vector_store %arg5[%swap3A, %swap3A_24], %mul3A_23 {strides = array<i32>} : memref<225x128xf32, #tpu.memory_space<vmem>>, vector<225x128xf32>,
    %get3A_26 = arith.constant 0 : index
    %get3A_27 = arith.constant 0 : index
    %get3A_28 = vector.load %arg0[%get3A_26, %get3A_27] : memref<1x6xf32, #tpu.memory_space<vmem>>, vector<1x6xf32>
    %min3A = arith.constant 4.60517025 : f32
    %min3A_29 = vector.broadcast %min3A : f32 to vector<1x6xf32>
    %min3A_30 = arith.minimumf %get3A_28, %min3A_29 : vector<1x6xf32>
    %exp3A = math.exp %min3A_30 : vector<1x6xf32>
    %swap3A_31 = arith.constant 0 : index
    %swap3A_32 = arith.constant 0 : index
    %swap3A_33 = vector.load %arg6[%swap3A_31, %swap3A_32] : memref<1x6xf32, #tpu.memory_space<vmem>>, vector<1x6xf32>
    tpu.vector_store %arg6[%swap3A_31, %swap3A_32], %exp3A {strides = array<i32>} : memref<1x6xf32, #tpu.memory_space<vmem>>, vector<1x6xf32>,
    return
  }
}

module attributes {stable_mosaic.version = 14 : i64} {
  func.func @_stream_kernel(%arg0: i32, %arg1: memref<1x6xf32, #tpu.memory_space<vmem>>, %arg2: memref<4096x128xf32, #tpu.memory_space<vmem>>, %arg3: memref<6x512x1024xf32, #tpu.memory_space<vmem>>, %arg4: memref<6x512x1024xf32, #tpu.memory_space<vmem>>) attributes {dimension_semantics = [#tpu.dimension_semantics<arbitrary>], iteration_bounds = array<i64: 8>, scalar_prefetch = 0 : i64, scratch_operands = 0 : i64, tpu.core_type = #tpu.core_type<tc>, window_params = [{pipeline_mode = #tpu.pipeline_mode<synchronous>, transform_indices = @transform_0, window_bounds = array<i64: 1, 6>}, {pipeline_mode = #tpu.pipeline_mode<synchronous>, transform_indices = @transform_1, window_bounds = array<i64: 4096, 128>}, {transform_indices = @transform_2, window_bounds = array<i64: 6, 512, 1024>}, {transform_indices = @transform_3, window_bounds = array<i64: 6, 512, 1024>}]} {
    %mul3A = arith.constant 512 : i32
    %mul3A_0 = arith.muli %arg0, %mul3A : i32
    %get3A = arith.index_cast %mul3A_0 : i32 to index
    %get3A_1 = arith.constant 0 : index
    %get3A_2 = vector.load %arg2[%get3A, %get3A_1] : memref<4096x128xf32, #tpu.memory_space<vmem>>, vector<512x1xf32>
    %broadcast_in_dim3A = vector.shape_cast %get3A_2 : vector<512x1xf32> to vector<512x1xf32>
    %broadcast_in_dim3A_3 = vector.broadcast %broadcast_in_dim3A : vector<512x1xf32> to vector<512x1024xf32>
    %get3A_4 = arith.constant 0 : index
    %get3A_5 = arith.constant 0 : index
    %get3A_6 = vector.load %arg1[%get3A_4, %get3A_5] : memref<1x6xf32, #tpu.memory_space<vmem>>, vector<1x1xf32>
    %get3A_7 = vector.extract %get3A_6[0, 0] : f32 from vector<1x1xf32>
    %get3A_8 = arith.constant 0 : index
    %get3A_9 = arith.constant 0 : index
    %get3A_10 = arith.constant 0 : index
    %get3A_11 = vector.load %arg3[%get3A_8, %get3A_9, %get3A_10] : memref<6x512x1024xf32, #tpu.memory_space<vmem>>, vector<1x512x1024xf32>
    %get3A_12 = vector.shape_cast %get3A_11 : vector<1x512x1024xf32> to vector<512x1024xf32>
    %mul3A_13 = vector.broadcast %get3A_7 : f32 to vector<512x1024xf32>
    %mul3A_14 = arith.mulf %get3A_12, %mul3A_13 : vector<512x1024xf32>
    %add3A = arith.addf %mul3A_14, %broadcast_in_dim3A_3 : vector<512x1024xf32>
    %swap3A = arith.constant 0 : index
    %swap3A_15 = arith.constant 0 : index
    %swap3A_16 = arith.constant 0 : index
    %swap3A_17 = vector.load %arg4[%swap3A, %swap3A_15, %swap3A_16] : memref<6x512x1024xf32, #tpu.memory_space<vmem>>, vector<1x512x1024xf32>
    %swap3A_18 = vector.shape_cast %swap3A_17 : vector<1x512x1024xf32> to vector<512x1024xf32>
    %swap3A_19 = vector.shape_cast %add3A : vector<512x1024xf32> to vector<1x512x1024xf32>
    tpu.vector_store %arg4[%swap3A, %swap3A_15, %swap3A_16], %swap3A_19 {strides = array<i32>} : memref<6x512x1024xf32, #tpu.memory_space<vmem>>, vector<1x512x1024xf32>,
    %mul3A_20 = arith.constant 512 : i32
    %mul3A_21 = arith.muli %arg0, %mul3A_20 : i32
    %get3A_22 = arith.index_cast %mul3A_21 : i32 to index
    %get3A_23 = arith.constant 1 : index
    %get3A_24 = vector.load %arg2[%get3A_22, %get3A_23] : memref<4096x128xf32, #tpu.memory_space<vmem>>, vector<512x1xf32>
    %broadcast_in_dim3A_25 = vector.shape_cast %get3A_24 : vector<512x1xf32> to vector<512x1xf32>
    %broadcast_in_dim3A_26 = vector.broadcast %broadcast_in_dim3A_25 : vector<512x1xf32> to vector<512x1024xf32>
    %get3A_27 = arith.constant 0 : index
    %get3A_28 = arith.constant 1 : index
    %get3A_29 = vector.load %arg1[%get3A_27, %get3A_28] : memref<1x6xf32, #tpu.memory_space<vmem>>, vector<1x1xf32>
    %get3A_30 = vector.extract %get3A_29[0, 0] : f32 from vector<1x1xf32>
    %get3A_31 = arith.constant 1 : index
    %get3A_32 = arith.constant 0 : index
    %get3A_33 = arith.constant 0 : index
    %get3A_34 = vector.load %arg3[%get3A_31, %get3A_32, %get3A_33] : memref<6x512x1024xf32, #tpu.memory_space<vmem>>, vector<1x512x1024xf32>
    %get3A_35 = vector.shape_cast %get3A_34 : vector<1x512x1024xf32> to vector<512x1024xf32>
    %mul3A_36 = vector.broadcast %get3A_30 : f32 to vector<512x1024xf32>
    %mul3A_37 = arith.mulf %get3A_35, %mul3A_36 : vector<512x1024xf32>
    %add3A_38 = arith.addf %mul3A_37, %broadcast_in_dim3A_26 : vector<512x1024xf32>
    %swap3A_39 = arith.constant 1 : index
    %swap3A_40 = arith.constant 0 : index
    %swap3A_41 = arith.constant 0 : index
    %swap3A_42 = vector.load %arg4[%swap3A_39, %swap3A_40, %swap3A_41] : memref<6x512x1024xf32, #tpu.memory_space<vmem>>, vector<1x512x1024xf32>
    %swap3A_43 = vector.shape_cast %swap3A_42 : vector<1x512x1024xf32> to vector<512x1024xf32>
    %swap3A_44 = vector.shape_cast %add3A_38 : vector<512x1024xf32> to vector<1x512x1024xf32>
    tpu.vector_store %arg4[%swap3A_39, %swap3A_40, %swap3A_41], %swap3A_44 {strides = array<i32>} : memref<6x512x1024xf32, #tpu.memory_space<vmem>>, vector<1x512x1024xf32>,
    %mul3A_45 = arith.constant 512 : i32
    %mul3A_46 = arith.muli %arg0, %mul3A_45 : i32
    %get3A_47 = arith.index_cast %mul3A_46 : i32 to index
    %get3A_48 = arith.constant 2 : index
    %get3A_49 = vector.load %arg2[%get3A_47, %get3A_48] : memref<4096x128xf32, #tpu.memory_space<vmem>>, vector<512x1xf32>
    %broadcast_in_dim3A_50 = vector.shape_cast %get3A_49 : vector<512x1xf32> to vector<512x1xf32>
    %broadcast_in_dim3A_51 = vector.broadcast %broadcast_in_dim3A_50 : vector<512x1xf32> to vector<512x1024xf32>
    %get3A_52 = arith.constant 0 : index
    %get3A_53 = arith.constant 2 : index
    %get3A_54 = vector.load %arg1[%get3A_52, %get3A_53] : memref<1x6xf32, #tpu.memory_space<vmem>>, vector<1x1xf32>
    %get3A_55 = vector.extract %get3A_54[0, 0] : f32 from vector<1x1xf32>
    %get3A_56 = arith.constant 2 : index
    %get3A_57 = arith.constant 0 : index
    %get3A_58 = arith.constant 0 : index
    %get3A_59 = vector.load %arg3[%get3A_56, %get3A_57, %get3A_58] : memref<6x512x1024xf32, #tpu.memory_space<vmem>>, vector<1x512x1024xf32>
    %get3A_60 = vector.shape_cast %get3A_59 : vector<1x512x1024xf32> to vector<512x1024xf32>
    %mul3A_61 = vector.broadcast %get3A_55 : f32 to vector<512x1024xf32>
    %mul3A_62 = arith.mulf %get3A_60, %mul3A_61 : vector<512x1024xf32>
    %add3A_63 = arith.addf %mul3A_62, %broadcast_in_dim3A_51 : vector<512x1024xf32>
    %swap3A_64 = arith.constant 2 : index
    %swap3A_65 = arith.constant 0 : index
    %swap3A_66 = arith.constant 0 : index
    %swap3A_67 = vector.load %arg4[%swap3A_64, %swap3A_65, %swap3A_66] : memref<6x512x1024xf32, #tpu.memory_space<vmem>>, vector<1x512x1024xf32>
    %swap3A_68 = vector.shape_cast %swap3A_67 : vector<1x512x1024xf32> to vector<512x1024xf32>
    %swap3A_69 = vector.shape_cast %add3A_63 : vector<512x1024xf32> to vector<1x512x1024xf32>
    tpu.vector_store %arg4[%swap3A_64, %swap3A_65, %swap3A_66], %swap3A_69 {strides = array<i32>} : memref<6x512x1024xf32, #tpu.memory_space<vmem>>, vector<1x512x1024xf32>,
    %mul3A_70 = arith.constant 512 : i32
    %mul3A_71 = arith.muli %arg0, %mul3A_70 : i32
    %get3A_72 = arith.index_cast %mul3A_71 : i32 to index
    %get3A_73 = arith.constant 3 : index
    %get3A_74 = vector.load %arg2[%get3A_72, %get3A_73] : memref<4096x128xf32, #tpu.memory_space<vmem>>, vector<512x1xf32>
    %broadcast_in_dim3A_75 = vector.shape_cast %get3A_74 : vector<512x1xf32> to vector<512x1xf32>
    %broadcast_in_dim3A_76 = vector.broadcast %broadcast_in_dim3A_75 : vector<512x1xf32> to vector<512x1024xf32>
    %get3A_77 = arith.constant 0 : index
    %get3A_78 = arith.constant 3 : index
    %get3A_79 = vector.load %arg1[%get3A_77, %get3A_78] : memref<1x6xf32, #tpu.memory_space<vmem>>, vector<1x1xf32>
    %get3A_80 = vector.extract %get3A_79[0, 0] : f32 from vector<1x1xf32>
    %get3A_81 = arith.constant 3 : index
    %get3A_82 = arith.constant 0 : index
    %get3A_83 = arith.constant 0 : index
    %get3A_84 = vector.load %arg3[%get3A_81, %get3A_82, %get3A_83] : memref<6x512x1024xf32, #tpu.memory_space<vmem>>, vector<1x512x1024xf32>
    %get3A_85 = vector.shape_cast %get3A_84 : vector<1x512x1024xf32> to vector<512x1024xf32>
    %mul3A_86 = vector.broadcast %get3A_80 : f32 to vector<512x1024xf32>
    %mul3A_87 = arith.mulf %get3A_85, %mul3A_86 : vector<512x1024xf32>
    %add3A_88 = arith.addf %mul3A_87, %broadcast_in_dim3A_76 : vector<512x1024xf32>
    %swap3A_89 = arith.constant 3 : index
    %swap3A_90 = arith.constant 0 : index
    %swap3A_91 = arith.constant 0 : index
    %swap3A_92 = vector.load %arg4[%swap3A_89, %swap3A_90, %swap3A_91] : memref<6x512x1024xf32, #tpu.memory_space<vmem>>, vector<1x512x1024xf32>
    %swap3A_93 = vector.shape_cast %swap3A_92 : vector<1x512x1024xf32> to vector<512x1024xf32>
    %swap3A_94 = vector.shape_cast %add3A_88 : vector<512x1024xf32> to vector<1x512x1024xf32>
    tpu.vector_store %arg4[%swap3A_89, %swap3A_90, %swap3A_91], %swap3A_94 {strides = array<i32>} : memref<6x512x1024xf32, #tpu.memory_space<vmem>>, vector<1x512x1024xf32>,
    %mul3A_95 = arith.constant 512 : i32
    %mul3A_96 = arith.muli %arg0, %mul3A_95 : i32
    %get3A_97 = arith.index_cast %mul3A_96 : i32 to index
    %get3A_98 = arith.constant 4 : index
    %get3A_99 = vector.load %arg2[%get3A_97, %get3A_98] : memref<4096x128xf32, #tpu.memory_space<vmem>>, vector<512x1xf32>
    %broadcast_in_dim3A_100 = vector.shape_cast %get3A_99 : vector<512x1xf32> to vector<512x1xf32>
    %broadcast_in_dim3A_101 = vector.broadcast %broadcast_in_dim3A_100 : vector<512x1xf32> to vector<512x1024xf32>
    %get3A_102 = arith.constant 0 : index
    %get3A_103 = arith.constant 4 : index
    %get3A_104 = vector.load %arg1[%get3A_102, %get3A_103] : memref<1x6xf32, #tpu.memory_space<vmem>>, vector<1x1xf32>
    %get3A_105 = vector.extract %get3A_104[0, 0] : f32 from vector<1x1xf32>
    %get3A_106 = arith.constant 4 : index
    %get3A_107 = arith.constant 0 : index
    %get3A_108 = arith.constant 0 : index
    %get3A_109 = vector.load %arg3[%get3A_106, %get3A_107, %get3A_108] : memref<6x512x1024xf32, #tpu.memory_space<vmem>>, vector<1x512x1024xf32>
    %get3A_110 = vector.shape_cast %get3A_109 : vector<1x512x1024xf32> to vector<512x1024xf32>
    %mul3A_111 = vector.broadcast %get3A_105 : f32 to vector<512x1024xf32>
    %mul3A_112 = arith.mulf %get3A_110, %mul3A_111 : vector<512x1024xf32>
    %add3A_113 = arith.addf %mul3A_112, %broadcast_in_dim3A_101 : vector<512x1024xf32>
    %swap3A_114 = arith.constant 4 : index
    %swap3A_115 = arith.constant 0 : index
    %swap3A_116 = arith.constant 0 : index
    %swap3A_117 = vector.load %arg4[%swap3A_114, %swap3A_115, %swap3A_116] : memref<6x512x1024xf32, #tpu.memory_space<vmem>>, vector<1x512x1024xf32>
    %swap3A_118 = vector.shape_cast %swap3A_117 : vector<1x512x1024xf32> to vector<512x1024xf32>
    %swap3A_119 = vector.shape_cast %add3A_113 : vector<512x1024xf32> to vector<1x512x1024xf32>
    tpu.vector_store %arg4[%swap3A_114, %swap3A_115, %swap3A_116], %swap3A_119 {strides = array<i32>} : memref<6x512x1024xf32, #tpu.memory_space<vmem>>, vector<1x512x1024xf32>,
    %mul3A_120 = arith.constant 512 : i32
    %mul3A_121 = arith.muli %arg0, %mul3A_120 : i32
    %get3A_122 = arith.index_cast %mul3A_121 : i32 to index
    %get3A_123 = arith.constant 5 : index
    %get3A_124 = vector.load %arg2[%get3A_122, %get3A_123] : memref<4096x128xf32, #tpu.memory_space<vmem>>, vector<512x1xf32>
    %broadcast_in_dim3A_125 = vector.shape_cast %get3A_124 : vector<512x1xf32> to vector<512x1xf32>
    %broadcast_in_dim3A_126 = vector.broadcast %broadcast_in_dim3A_125 : vector<512x1xf32> to vector<512x1024xf32>
    %get3A_127 = arith.constant 0 : index
    %get3A_128 = arith.constant 5 : index
    %get3A_129 = vector.load %arg1[%get3A_127, %get3A_128] : memref<1x6xf32, #tpu.memory_space<vmem>>, vector<1x1xf32>
    %get3A_130 = vector.extract %get3A_129[0, 0] : f32 from vector<1x1xf32>
    %get3A_131 = arith.constant 5 : index
    %get3A_132 = arith.constant 0 : index
    %get3A_133 = arith.constant 0 : index
    %get3A_134 = vector.load %arg3[%get3A_131, %get3A_132, %get3A_133] : memref<6x512x1024xf32, #tpu.memory_space<vmem>>, vector<1x512x1024xf32>
    %get3A_135 = vector.shape_cast %get3A_134 : vector<1x512x1024xf32> to vector<512x1024xf32>
    %mul3A_136 = vector.broadcast %get3A_130 : f32 to vector<512x1024xf32>
    %mul3A_137 = arith.mulf %get3A_135, %mul3A_136 : vector<512x1024xf32>
    %add3A_138 = arith.addf %mul3A_137, %broadcast_in_dim3A_126 : vector<512x1024xf32>
    %swap3A_139 = arith.constant 5 : index
    %swap3A_140 = arith.constant 0 : index
    %swap3A_141 = arith.constant 0 : index
    %swap3A_142 = vector.load %arg4[%swap3A_139, %swap3A_140, %swap3A_141] : memref<6x512x1024xf32, #tpu.memory_space<vmem>>, vector<1x512x1024xf32>
    %swap3A_143 = vector.shape_cast %swap3A_142 : vector<1x512x1024xf32> to vector<512x1024xf32>
    %swap3A_144 = vector.shape_cast %add3A_138 : vector<512x1024xf32> to vector<1x512x1024xf32>
    tpu.vector_store %arg4[%swap3A_139, %swap3A_140, %swap3A_141], %swap3A_144 {strides = array<i32>} : memref<6x512x1024xf32, #tpu.memory_space<vmem>>, vector<1x512x1024xf32>,
    return
  }
  func.func @transform_0(%arg0: i32) -> (i32, i32) {
    %c0_i32 = arith.constant 0 : i32
    %c0_i32_0 = arith.constant 0 : i32
    %c0_i32_1 = arith.constant 0 : i32
    return %c0_i32, %c0_i32_0 : i32, i32
  }
  func.func @transform_1(%arg0: i32) -> (i32, i32) {
    %c0_i32 = arith.constant 0 : i32
    %c0_i32_0 = arith.constant 0 : i32
    %c0_i32_1 = arith.constant 0 : i32
    return %c0_i32, %c0_i32_0 : i32, i32
  }
  func.func @transform_2(%arg0: i32) -> (i32, i32, i32) {
    %c0_i32 = arith.constant 0 : i32
    %c0_i32_0 = arith.constant 0 : i32
    %c0_i32_1 = arith.constant 0 : i32
    return %c0_i32, %arg0, %c0_i32_0 : i32, i32, i32
  }
  func.func @transform_3(%arg0: i32) -> (i32, i32, i32) {
    %c0_i32 = arith.constant 0 : i32
    %c0_i32_0 = arith.constant 0 : i32
    %c0_i32_1 = arith.constant 0 : i32
    return %c0_i32, %arg0, %c0_i32_0 : i32, i32, i32
  }
}

</mosaic_0001>

<sc_bundles>
// kernel: kernel.5.cloned.1.call-start
scs
__scs_entry_jumppad:
0x0: {  	(pc) =	sbr.rel $0x88, $3  }
0x1: {  	(tag) =	ssettag $0x0;
	lr =	simm.s32 $0x1  }
0x2: {  	[smem:$0x3F9C] =	sst lr;
	_ =	strace $0xD0000000  }
0x3: {  	_ = 	snop  }
0x4: {  	_ = 	snop  }
0x5: {  	_ = 	snop  }
0x6: {  	_ = 	snop  }
0x7: {  	_ = 	snop  }
__scs_overlays_trampoline_lowered:
0x8: {  	[smem:$0x3FAB] =	sst s0  }
0x9: {  	[smem:$0x3FAC] =	sst s1  }
0xa: {  	[smem:$0x3FAD] =	sst s2  }
0xb: {  	[smem:$0x3FAE] =	sst s3  }
0xc: {  	[smem:$0x3FAF] =	sst s4  }
0xd: {  	[smem:$0x3FB0] =	sst s5  }
0xe: {  	[smem:$0x3FB1] =	sst s6  }
0xf: {  	[smem:$0x3FB2] =	sst s7  }
0x10: {  	[smem:$0x3FB3] =	sst s8  }
0x11: {  	[smem:$0x3FB4] =	sst s9;
	s0 =	simm.s32 @!p0 $0x0  }
0x12: {  	s1 =	sld [smem:$0x3F9A];
	s0 =	simm.s32 @p0 $0x1  }
0x13: {  	[smem:$0x3FB5] =	sst s0;
	s0 =	simm.s32 @!p1 $0x0  }
0x14: {  	s2 =	sld [smem:$0x3F99];
	s0 =	simm.s32 @p1 $0x1  }
0x15: {  	[smem:$0x3FB6] =	sst s0;
	s0 =	simm.s32 @!p2 $0x0  }
0x16: {  	s3 =	sld [smem:$0x3FDB];
	s0 =	simm.s32 @p2 $0x1  }
0x17: {  	s4 =	simm.s32 $0x1BF5;
	[smem:$0x3FB8] =	sst s0  }
0x18: {  	s0 =	sld [smem:$0x3F9B];
	_ =	swait.ge [sflag:s4], $0x0  }
0x19: {  	s7 =	sld [smem:$0x3F9C]  }
0x1a: {  	s8 =	sadd.s32 $0xFFFFE003, lr  }
0x1b: {  	s9 =	sadd.s32 $0xFFFFFEF7, lr;
	s5 =	simm.s32 $0xFFFFFFFF;
	p2 =	slt.u32 s8, $0xFFFFF086  }
0x1c: {  	p1 =	slt.u32 s9, $0xF7A;
	s5 =	simm.s32 @!p2 $0x0  }
0x1d: {  	s5 =	simm.s32 @p1 $0x1;
	p0 =	seq.s32 s7, s2  }
0x1e: {  	s7 =	smul.u32 @!p0 $0xF7A, s2;
	p2 =	seq.s32 @!p0 s5, $0x0  }
0x1f: {  	s9 =	smul.u32 $0xF7A, s1;
	s8 =	simm.s32 @!p0 $0x1BF5;
	p2 =	por !p2, p0  }
0x20: {  	[sflag:s8] =	ssyncset.s32 @!p0 $0xFFFFF086;
	s6 =	sadd.s32 @!p0 s3, s7;
	s7 =	simm.s32 @!p0 $0x108  }
0x21: {  	s3 =	sadd.s32 s3, s9;
	s6 =	sadd.s32 @!p0 $0x88, s6;
	s7 =	simm.s32 @p2 $0x1082  }
0x22: {  	[simem:s7], [sflag:s8] =	dma.local @!p0 [hbm:s6], $0xF7A  }
0x23: {  	s9 =	sor.u32 $0xD0000000, s2;
	s6 =	simm.s32 $0x108;
	_ =	swait.ge @!p0 [sflag:s8], $0x0  }
0x24: {  	s3 =	sadd.s32 $0x88, s3;
	s6 =	simm.s32 @!p1 $0x1082;
	[sflag:s4] =	ssyncset.s32 $0xFFFFF086  }
0x25: {  	[simem:s6], [sflag:s4] =	dma.local [hbm:s3], $0xF7A  }
0x26: {  	[smem:$0x3F9C] =	sst s1;
	(tag) =	ssettag s2;
	_ =	strace s9  }
0x27: {  	s1 =	sld [smem:$0x3FAC]  }
0x28: {  	s2 =	sld [smem:$0x3FAD]  }
0x29: {  	s4 =	sld [smem:$0x3FAF]  }
0x2a: {  	p0 =	seq.s32 s5, $0x0;
	s5 =	sld [smem:$0x3FB0]  }
0x2b: {  	s6 =	sld [smem:$0x3FB1]  }
0x2c: {  	s7 =	sld [smem:$0x3FB2]  }
0x2d: {  	s3 =	simm.s32 $0x108;
	s8 =	sld [smem:$0x3FB3]  }
0x2e: {  	s3 =	simm.s32 @!p0 $0x1082;
	s9 =	sld [smem:$0x3FB4]  }
0x2f: {  	lr =	sadd.s32 s0, s3;
	s0 =	sld [smem:$0x3FAB]  }
0x30: {  	s3 =	sld [smem:$0x3FAE]  }
0x31: {  	[smem:$0x3FB7] =	sst s10  }
0x32: {  	s10 =	sld [smem:$0x3FB5];
	_ =	sdelay $0x3  }
0x33: {  	p0 =	seq.s32 s10, $0x1;
	s10 =	sld [smem:$0x3FB7];
	_ =	sdelay $0x3  }
0x34: {  	[smem:$0x3FB7] =	sst s10  }
0x35: {  	s10 =	sld [smem:$0x3FB6];
	_ =	sdelay $0x3  }
0x36: {  	p1 =	seq.s32 s10, $0x1;
	s10 =	sld [smem:$0x3FB7];
	_ =	sdelay $0x3  }
0x37: {  	[smem:$0x3FB7] =	sst s10  }
0x38: {  	s10 =	sld [smem:$0x3FB8]  }
0x39: {  	_ = 	snop;
	(pc) =	sbr.ind lr, $3  }
0x3a: {  	_ = 	snop  }
0x3b: {  	_ = 	snop  }
0x3c: {  	p2 =	seq.s32 s10, $0x1;
	s10 =	sld [smem:$0x3FB7]  }
0x3d: {  	_ =	shalt  }
0x3e: {  	_ =	shalt  }
0x3f: {  	_ =	shalt  }
0x40: {  	_ =	shalt  }
0x41: {  	_ =	shalt  }
0x42: {  	_ =	shalt  }
0x43: {  	_ =	shalt  }
0x44: {  	_ =	shalt  }
0x45: {  	_ =	shalt  }
0x46: {  	_ =	shalt  }
0x47: {  	_ =	shalt  }
0x48: {  	_ =	shalt  }
0x49: {  	_ =	shalt  }
0x4a: {  	_ =	shalt  }
0x4b: {  	_ =	shalt  }
0x4c: {  	_ =	shalt  }
0x4d: {  	_ =	shalt  }
0x4e: {  	_ =	shalt  }
0x4f: {  	_ =	shalt  }
0x50: {  	_ =	shalt  }
0x51: {  	_ =	shalt  }
0x52: {  	_ =	shalt  }
0x53: {  	_ =	shalt  }
0x54: {  	_ =	shalt  }
0x55: {  	_ =	shalt  }
0x56: {  	_ =	shalt  }
0x57: {  	_ =	shalt  }
0x58: {  	_ =	shalt  }
0x59: {  	_ =	shalt  }
0x5a: {  	_ =	shalt  }
0x5b: {  	_ =	shalt  }
0x5c: {  	_ =	shalt  }
0x5d: {  	_ =	shalt  }
0x5e: {  	_ =	shalt  }
0x5f: {  	_ =	shalt  }
0x60: {  	_ =	shalt  }
0x61: {  	_ =	shalt  }
0x62: {  	_ =	shalt  }
0x63: {  	_ =	shalt  }
0x64: {  	_ =	shalt  }
0x65: {  	_ =	shalt  }
0x66: {  	_ =	shalt  }
0x67: {  	_ =	shalt  }
0x68: {  	_ =	shalt  }
0x69: {  	_ =	shalt  }
0x6a: {  	_ =	shalt  }
0x6b: {  	_ =	shalt  }
0x6c: {  	_ =	shalt  }
0x6d: {  	_ =	shalt  }
0x6e: {  	_ =	shalt  }
0x6f: {  	_ =	shalt  }
0x70: {  	_ =	shalt  }
0x71: {  	_ =	shalt  }
0x72: {  	_ =	shalt  }
0x73: {  	_ =	shalt  }
0x74: {  	_ =	shalt  }
0x75: {  	_ =	shalt  }
0x76: {  	_ =	shalt  }
0x77: {  	_ =	shalt  }
0x78: {  	_ =	shalt  }
0x79: {  	_ =	shalt  }
0x7a: {  	_ =	shalt  }
0x7b: {  	_ =	shalt  }
0x7c: {  	_ =	shalt  }
0x7d: {  	_ =	shalt  }
0x7e: {  	_ =	shalt  }
0x7f: {  	_ =	shalt  }
0x80: {  	_ =	shalt  }
0x81: {  	_ =	shalt  }
0x82: {  	_ =	shalt  }
0x83: {  	_ =	shalt  }
0x84: {  	_ =	shalt  }
0x85: {  	_ =	shalt  }
0x86: {  	_ =	shalt  }
0x87: {  	_ =	shalt  }
.Lfunc_end0:
.L_simem_size_0:
called_computation_lowered:
.L_overlay_start_0:
0x88: {  	s2 =	sld [smem:$0x3FD9]  }
0x89: {  	s3 =	sld [smem:$0x3FFE];
	_ =	sdelay $0x1  }
0x8a: {  	s1 =	srdreg.scid  }
0x8b: {  	s0 =	sand.u32 $0x1, s1  }
0x8c: {  	s17 =	sshll.u32 s0, $0xA;
	s2 =	sadd.s32 s3, s2  }
0x8d: {  	s2 =	sadd.s32 s2, s17  }
0x8e: {  	[smem:$0x3FC3] =	sst s2  }
0x8f: {  	_ = 	snop  }
0x90: {  	s2 =	sld [smem:$0x3FD0];
	(tm) =	ssettm $0x1  }
0x91: {  	s18 =	sld [smem:$0x3FFB];
	_ =	sdelay $0x3  }
0x92: {  	_ =	strace s18  }
0x93: {  	s3 =	sld [smem:$0x3FFC];
	_ =	sdelay $0x3  }
0x94: {  	_ =	strace s3  }
0x95: {  	s3 =	sld [smem:$0x3FFD];
	_ =	sdelay $0x3  }
0x96: {  	_ =	strace s3  }
0x97: {  	_ =	strace $0x8FFFFFFF  }
0x98: {  	s19 =	sld [smem:$0x3FDB];
	_ =	sdelay $0x1  }
0x99: {  	s4 =	simm.s32 $_scs_section_size  }
0x9a: {  	s5 =	simm.s32 $_size__tile_overlayer_lowered;
	s6 =	simm.s32 $_tile_overlayer_lowered  }
0x9b: {  	s22 =	simm.s32 $0x1BFF;
	s21 =	sshll.u32 s6, $0x1;
	s3 =	sadd.s32 s4, s19  }
0x9c: {  	s7 =	simm.s32 $0x0;
	s20 =	sshll.u32 s5, $0x1;
	s5 =	sadd.s32 s21, s3  }
0x9d: {  	[timem:s7], [sflag:s22] =	dma.local [hbm:s5], s20  }
0x9e: {  	_ =	swait.ge [sflag:s22], s20  }
0x9f: {  	s4 =	ssub.s32 $0x0, s20;
	[sflag:s22] =	ssyncset.done $0x0  }
0xa0: {  	[sflag:s22] =	ssyncadd.s32 s4;
	_ =	sdelay $0x1  }
0xa1: {  	s23 =	simm.s32 $0x1B8B  }
0xa2: {  	_ =	swait.ge [sflag:s23], $0x1  }
0xa3: {  	[sflag:s23] =	ssyncset.done $0x0  }
0xa4: {  	s25 =	simm.s32 $0x1B8E;
	s24 =	sld [smem:$0x3FFE];
	[sflag:s23] =	ssyncadd.s32 $0xFFFFFFFF  }
0xa5: {  	s26 =	simm.s32 $execute0_lowered;
	[smem:$0x3FD2] =	sst s25  }
0xa6: {  	s5 =	sshll.u32 s26, $0x1;
	_ =	strace $0x80000046;
	[dreg:$0x1] =	wrdreg $0xFFFFFFFF  }
0xa7: {  	s28 =	simm.s32 $_size_execute0_lowered;
	s3 =	sadd.s32 s3, s5;
	[dreg:$0x0] =	wrdreg $0x0  }
0xa8: {  	s5 =	sshll.u32 s28, $0x1;
	[dreg:$0x2] =	wrdreg s3  }
0xa9: {  	[dreg:$0x3] =	wrdreg s5  }
0xaa: {  	[dreg:$0x4] =	wrdreg $0xC0  }
0xab: {  	_ =	task [dreg:s7], $0x5FFFF  }
0xac: {  	[dreg:$0x1] =	wrdreg $0xFFFFFFFF  }
0xad: {  	[dreg:$0x0] =	wrdreg $0x60  }
0xae: {  	[dreg:$0x2] =	wrdreg s2  }
0xaf: {  	[dreg:$0x3] =	wrdreg s24  }
0xb0: {  	[dreg:$0x4] =	wrdreg $0x9  }
0xb1: {  	_ =	task.clear_ibuf [dreg:s7], $0x5FFFF;
	_ =	strace $0x90000046  }
0xb2: {  	s29 =	simm.s32 $0x9;
	_ =	strace $0x80000048  }
0xb3: {  	_ =	swait.ge [sflag:s29], $0x1  }
0xb4: {  	[sflag:s29] =	ssyncadd.s32 $0xFFFFFFFF  }
0xb5: {  	_ =	strace $0x90000048  }
0xb6: {  	_ =	sfence  }
0xb7: {  	s30 =	sld [smem:$0x0];
	_ =	sdelay $0x2  }
0xb8: {  	s31 =	sshll.u32 s1, $0xD;
	s1 =	sshrl.u32 s1, $0x2  }
0xb9: {  	s3 =	sand.u32 $0x4000, s31;
	s1 =	sadd.s32 s1, s30  }
0xba: {  	s0 =	sor.u32 s3, s0;
	s1 =	sshll.u32 s1, $0x11  }
0xbb: {  	s0 =	sor.u32 s1, s0  }
0xbc: {  	s0 =	sadd.s32 $0x8F2B, s0  }
0xbd: {  	[sflag:s0] =	ssyncadd.remote.s32 $0x1  }
0xbe: {  	_ =	sfence.sel $0xFFFF  }
0xbf: {  	[dreg:$0x0] =	wrdreg $0xFFFFFFFF;
	(pc) =	sbr.abs _section_cstart, $3  }
0xc0: {  	[dreg:$0x1] =	wrdreg $0xFFFFFFFF  }
0xc1: {  	_ =	task.clear_ibuf [dreg:s7], $0x2FFFF;
	_ =	strace $0x9FFFFFFF  }
0xc2: {  	(tm) =	ssettm $0x7FFFFFFF  }
0xc3: {  	_ =	shalt  }
tec
execute0_lowered:
.L_overlay_start_1:
0x0: {  	(tag) =	ssettag $0x1  }
0x1: {  	s1 =	srdreg.scid  }
0x2: {  	s0 =	stileid.u32;
	s6 =	sand.u32 $0x1, s1  }
0x3: {  	s2 =	rddreg [dreg:$0x0];
	s30 =	sshll.u32 s0, $0x8;
	s3 =	sshll.u32 s6, $0x7  }
0x4: {  	s8 =	rddreg [dreg:$0x1];
	s7 =	simm.s32 $0x1;
	s9 =	sor.u32 s3, s30  }
0x5: {  	s1 =	rddreg [dreg:$0x2];
	s3 =	simm.s32 $0x0;
	s4 =	sshrl.u32 s9, $0x3  }
0x6: {  	s10 =	ssub.s32 $0x2, s6;
	[smem:$0x7FF] =	sst s3;
	s4 =	sadd.s32 s4, s8  }
0x7: {  	_ =	strace $0x80000047;
	s5 =	sadd.s32 $0x1400, s4;
	s4 =	simm.s32 $0x2  }
0x8: {  	[tilespmem:s3], [sflag:$0x2] =	stream.linear.gather [hbm4b:s5+s3], $0x80, $0x38;
	[tilespmem:$0x4080] =	vst v63  }
0x9: {  	s6 =	simm.s32 $0x80;
	s11 =	sshrl.u32 s10, $0x1;
	_ =	swait.ge [sflag:s4], $0x80  }
0xa: {  	s9 =	sshll.u32 s9, $0x4;
	s31 =	ssub.s32 s10, s11;
	[sflag:s4] =	ssyncset.done $0x0  }
0xb: {  	s8 =	sadd.s32 s9, s8;
	s9 =	smax.u32 s31, $0x1;
	[sflag:s4] =	ssyncadd.s32 $0xFFFFFF80  }
0xc: {  	[tilespmem:s6], [sflag:$0x1] =	stream.indirect.gather [hbm4b:s2+s6], $0x80, s3, s6, $0xb8;
	[tilespmem:$0x4080] =	vst v63  }
0xd: {  	p0 =	sne.s32 s9, $0x1;
	_ =	swait.ge [sflag:s7], $0x4000  }
.Ltmp0:
0xe: {  	[sflag:s7] =	ssyncset.done $0x0;
	(pc) =	sbr.rel @!p0 .LBB2_2-.Ltmp0, $4  }
0xf: {  	s8 =	sadd.s32 $0x1600, s8;
	[sflag:s7] =	ssyncadd.s32 $0xFFFFC000  }
0x10: {  	[hbm4b:s8+s3] =	stream.linear.scatter [tilespmem:s6], [sflag:$0x2], $0x4000, $0x38;
	[tilespmem:$0x4080] =	vst v63  }
0x11: {  	_ =	swait.ge [sflag:s4], $0x4000  }
0x12: {  	s9 =	sadd.s32 $0xFFFFFFFF, s9;
	[sflag:s4] =	ssyncset.done $0x0  }
.LBB2_1:
0x13: {  	p0 =	sne.s32 s9, $0x1;
	s9 =	sadd.s32 $0xFFFFFFFF, s9;
	[sflag:s4] =	ssyncadd.s32 $0xFFFFC000  }
0x14: {  	[tilespmem:s3], [sflag:$0x2] =	stream.linear.gather [hbm4b:s5+s3], $0x80, $0x38;
	[tilespmem:$0x4080] =	vst v63  }
0x15: {  	_ =	swait.ge [sflag:s4], $0x80  }
0x16: {  	[sflag:s4] =	ssyncset.done $0x0  }
0x17: {  	[sflag:s4] =	ssyncadd.s32 $0xFFFFFF80  }
0x18: {  	[tilespmem:s6], [sflag:$0x1] =	stream.indirect.gather [hbm4b:s2+s6], $0x80, s3, s6, $0xb8;
	[tilespmem:$0x4080] =	vst v63  }
0x19: {  	_ =	swait.ge [sflag:s7], $0x4000  }
.Ltmp1:
0x1a: {  	[sflag:s7] =	ssyncset.done $0x0;
	(pc) =	sbr.rel @p0 .LBB2_1-.Ltmp1, $4  }
0x1b: {  	[sflag:s7] =	ssyncadd.s32 $0xFFFFC000  }
0x1c: {  	[hbm4b:s8+s3] =	stream.linear.scatter [tilespmem:s6], [sflag:$0x2], $0x4000, $0x38;
	[tilespmem:$0x4080] =	vst v63  }
0x1d: {  	_ =	swait.ge [sflag:s4], $0x4000  }
0x1e: {  	[sflag:s4] =	ssyncset.done $0x0  }
.LBB2_2:
0x1f: {  	[sflag:s4] =	ssyncadd.s32 $0xFFFFC000  }
0x20: {  	_ =	sfence.sel $0x180000  }
0x21: {  	[bflag:$0x0] =	sbarrier.arrive $0xFFFF  }
0x22: {  	p0 =	sne.s32 s0, $0x0;
	_ =	strace $0x90000047  }
0x23: {  	s0 =	sadd.s32 @!p0 $0x100000, s1;
	[bflag:$0x2] =	sbarrier.arrive $0xFFFF  }
0x24: {  	[sflag:s0] =	ssyncadd.tile.s32 @!p0 $0x1;
	_ =	shalt  }
.Lfunc_end2:
_tile_overlayer_lowered:
.L_overlay_start_2:
0x25: {  	(tag) =	ssettag $0x2  }
0x26: {  	s0 =	rddreg [dreg:$0x0];
	s2 =	stileid.u32  }
0x27: {  	s1 =	rddreg [dreg:$0x1];
	p0 =	sne.s32 s2, $0x0  }
0x28: {  	s3 =	rddreg [dreg:$0x2];
	[bflag:$0x3] =	sbarrier.arrive $0xFFFF;
	s2 =	simm.s32 @!p0 $0x1C02  }
0x29: {  	[timem:s3], [sflag:s2] =	dma.local @!p0 [hbm:s0], s1  }
0x2a: {  	s0 =	simm.s32 @!p0 $0x2  }
0x2b: {  	_ =	swait.ge @!p0 [sflag:s0], s1  }
0x2c: {  	s1 =	ssub.s32 @!p0 $0x0, s1;
	[sflag:s0] =	ssyncset.done @!p0 $0x0  }
0x2d: {  	[sflag:s0] =	ssyncadd.s32 @!p0 s1  }
0x2e: {  	[bflag:$0x3] =	sbarrier.arrive $0xFFFF  }
0x2f: {  	_ =	shalt  }

</sc_bundles>
